<compile_context>
chip_gen: v7x
topology: tpu7x:2x2x1
jax: 0.10.2.dev20260603
libtpu: 0.0.44.dev20260713+nightly
codegen_flags: <defaults>
</compile_context>

<pallas_src>
import functools

import jax
import jax.numpy as jnp
from jax import lax
from jax.experimental import pallas as pl
from jax.experimental.pallas import tpu as pltpu
from jax.experimental.pallas import tpu_sc as plsc

VOCAB = 100000
HIDDEN = 1024
NUM_CORES = 2
NUM_SUBCORES = 16
NW = NUM_CORES * NUM_SUBCORES

B_TOTAL = 8192
B_PER_W = B_TOTAL // NW
CHUNK = 32
NCHUNK = B_PER_W // CHUNK
NBUF = 2


@jax.jit
def _embed_gather(idx, table):
    mesh = plsc.VectorSubcoreMesh(core_axis_name="c", subcore_axis_name="s")

    @functools.partial(
        pl.kernel,
        out_type=jax.ShapeDtypeStruct((B_TOTAL, HIDDEN), jnp.float32),
        mesh=mesh,
        scratch_types=[
            pltpu.VMEM((B_PER_W,), jnp.int32),
            pltpu.VMEM((NBUF, CHUNK, HIDDEN), jnp.float32),
            pltpu.SemaphoreType.DMA,
            pltpu.SemaphoreType.DMA,
        ],
    )
    def k(table_hbm, idx_hbm, out_hbm, idx_v, rows_v, gsem, psem):
        wid = lax.axis_index("s") * NUM_CORES + lax.axis_index("c")
        base = wid * B_PER_W
        pltpu.sync_copy(idx_hbm.at[pl.ds(base, B_PER_W)], idx_v)

        def start_gather(c, b):
            pltpu.async_copy(
                table_hbm.at[idx_v.at[pl.ds(c * CHUNK, CHUNK)]],
                rows_v.at[b], gsem)

        def wait_gather(b):
            pltpu.make_async_copy(
                out_hbm.at[pl.ds(0, CHUNK)], rows_v.at[b], gsem).wait()

        def start_put(c, b):
            pltpu.async_copy(
                rows_v.at[b], out_hbm.at[pl.ds(base + c * CHUNK, CHUNK)],
                psem)

        def wait_put(b):
            pltpu.make_async_copy(
                rows_v.at[b], out_hbm.at[pl.ds(0, CHUNK)], psem).wait()

        for b in range(NBUF):
            start_gather(b, b)

        @pl.loop(0, NCHUNK - NBUF, step=NBUF)
        def _(c):
            for b in range(NBUF):
                cc = c + b
                wait_gather(b)
                start_put(cc, b)
                wait_put(b)
                start_gather(cc + NBUF, b)

        for b in range(NBUF):
            wait_gather(b)
            start_put(NCHUNK - NBUF + b, b)
        for b in range(NBUF):
            wait_put(b)

    return k(table, idx)


def kernel(inputs, table):
    idx = inputs.astype(jnp.int32).reshape(B_TOTAL)
    out = _embed_gather(idx, table)
    return out.reshape(inputs.shape[0], inputs.shape[1], HIDDEN)

# --- scband reference (transcript-rebuilt; emitter-appended) ---
"""Pipeline reference for scband-vocab-parallel-embed-19937238188683 (READ-ONLY COPY).

The authoritative reference and input builder live on the scoring server;
editing this copy changes nothing except your own understanding.
"""

import jax, jax.numpy as jnp
import numpy as np

VOCAB = 100000
HIDDEN = 1024
BATCH = 4
SEQ = 2048

def setup_inputs(seed: int = 0) -> dict:
    key = jax.random.key(seed)
    k_idx, k_tab = jax.random.split(key)
    inputs = jax.random.randint(k_idx, (BATCH, SEQ), 0, VOCAB, dtype=jnp.int64 if jax.config.jax_enable_x64 else jnp.int32)
    # nn.Embed default init: variance-scaling-like normal; use scaled normal
    table = jax.random.normal(k_tab, (VOCAB, HIDDEN), dtype=jnp.float32) * (1.0 / np.sqrt(HIDDEN))
    return {"inputs": inputs, "table": table}

def reference(inputs, table):
    # VocabParallelEmbed.__call__: out = self.embed(x) -> gather rows of table
    out = jnp.take(table, inputs, axis=0)
    return out

if __name__ == "__main__":
    import jax
    _d = setup_inputs()
    print(jax.jit(kernel)(*tuple(_d.values())))

</pallas_src>

<mosaic_0001>
#map = affine_map<(d0, d1) -> (0, 0)>
#map1 = affine_map<(d0, d1) -> (0)>
module attributes {stable_mosaic.version = 14 : i64} {
  func.func @k(%arg0: i32, %arg1: i32, %arg2: memref<100000x1024xf32, #tpu.memory_space<hbm>>, %arg3: memref<8192xi32, #tpu.memory_space<hbm>>, %arg4: memref<8192x1024xf32, #tpu.memory_space<hbm>>, %arg5: memref<256xi32, #tpu.memory_space<vmem>>, %arg6: memref<2x32x1024xf32, #tpu.memory_space<vmem>>, %arg7: memref<!tpu.dma_semaphore, #tpu.memory_space<semaphore_mem>>, %arg8: memref<!tpu.dma_semaphore, #tpu.memory_space<semaphore_mem>>) attributes {dimension_semantics = [#tpu.dimension_semantics<core_parallel>, #tpu.dimension_semantics<subcore_parallel>], iteration_bounds = array<i64: 2, 16>, scalar_prefetch = 0 : i64, scratch_operands = 4 : i64, tpu.core_type = #tpu.core_type<sc_vector_subcore>, window_params = [{transform_indices = #map}, {transform_indices = #map1}, {transform_indices = #map}]} {
    %mul3A = arith.constant 2 : i32
    %mul3A_0 = arith.muli %arg1, %mul3A : i32
    %add3A = arith.addi %mul3A_0, %arg0 : i32
    %mul3A_1 = arith.constant 256 : i32
    %mul3A_2 = arith.muli %add3A, %mul3A_1 : i32
    "tpu.region"() ({
      %run_scoped3A = tpu.sem_alloc : memref<!tpu.dma_semaphore, #tpu.memory_space<semaphore_mem>>
      %dma_start3A_115 = tpu.memref_slice %arg3[%mul3A_2] : memref<8192xi32, #tpu.memory_space<hbm>> -> memref<256xi32, #tpu.memory_space<hbm>>
      %dma_start3A_116 = tpu.memref_slice %arg3[%mul3A_2] : memref<8192xi32, #tpu.memory_space<hbm>> -> memref<256xi32, #tpu.memory_space<hbm>>
      tpu.enqueue_dma source(%dma_start3A_116 : memref<256xi32, #tpu.memory_space<hbm>>) target(%arg5 : memref<256xi32, #tpu.memory_space<vmem>>) target_semaphore(%run_scoped3A : memref<!tpu.dma_semaphore, #tpu.memory_space<semaphore_mem>>)
      %dma_wait3A_117 = tpu.memref_slice %arg3[%mul3A_2] : memref<8192xi32, #tpu.memory_space<hbm>> -> memref<256xi32, #tpu.memory_space<hbm>>
      %dma_wait3A_118 = tpu.memref_slice %arg3[%mul3A_2] : memref<8192xi32, #tpu.memory_space<hbm>> -> memref<256xi32, #tpu.memory_space<hbm>>
      tpu.wait_dma2 semaphore(%run_scoped3A : memref<!tpu.dma_semaphore, #tpu.memory_space<semaphore_mem>>) src(%dma_wait3A_118 : memref<256xi32, #tpu.memory_space<hbm>>) dst(%arg5 : memref<256xi32, #tpu.memory_space<vmem>>)
      tpu.yield
    }) : () -> ()
    %dma_start3A = arith.constant 0 : i32
    %dma_start3A_3 = arith.constant 0 : i32
    %dma_start3A_4 = arith.constant 0 : i32
    %dma_start3A_5 = tpu.memref_slice %arg6[%dma_start3A, %dma_start3A_3, %dma_start3A_4] : memref<2x32x1024xf32, #tpu.memory_space<vmem>> -> memref<1x32x1024xf32, #tpu.memory_space<vmem>>
    %dma_start3A_6 = tpu.memref_squeeze %dma_start3A_5 : memref<1x32x1024xf32, #tpu.memory_space<vmem>> -> memref<32x1024xf32, #tpu.memory_space<vmem>>
    %dma_start3A_7 = arith.constant 0 : i32
    %dma_start3A_8 = tpu.memref_slice %arg5[%dma_start3A_7] : memref<256xi32, #tpu.memory_space<vmem>> -> memref<32xi32, #tpu.memory_space<vmem>>
    %dma_start3A_9 = arith.constant 0 : i32
    %dma_start3A_10 = arith.constant 0 : i32
    %dma_start3A_11 = tpu.memref_slice %arg2[%dma_start3A_9, %dma_start3A_10] : memref<100000x1024xf32, #tpu.memory_space<hbm>> -> memref<100000x1024xf32, #tpu.memory_space<hbm>>
    tpu.enqueue_indirect_dma source(%dma_start3A_11 : memref<100000x1024xf32, #tpu.memory_space<hbm>>) target(%dma_start3A_6 : memref<32x1024xf32, #tpu.memory_space<vmem>>) offsets(%dma_start3A_8 : memref<32xi32, #tpu.memory_space<vmem>>) semaphore(%arg7 : memref<!tpu.dma_semaphore, #tpu.memory_space<semaphore_mem>>)
    %dma_start3A_12 = arith.constant 1 : i32
    %dma_start3A_13 = arith.constant 0 : i32
    %dma_start3A_14 = arith.constant 0 : i32
    %dma_start3A_15 = tpu.memref_slice %arg6[%dma_start3A_12, %dma_start3A_13, %dma_start3A_14] : memref<2x32x1024xf32, #tpu.memory_space<vmem>> -> memref<1x32x1024xf32, #tpu.memory_space<vmem>>
    %dma_start3A_16 = tpu.memref_squeeze %dma_start3A_15 : memref<1x32x1024xf32, #tpu.memory_space<vmem>> -> memref<32x1024xf32, #tpu.memory_space<vmem>>
    %dma_start3A_17 = arith.constant 32 : i32
    %dma_start3A_18 = tpu.memref_slice %arg5[%dma_start3A_17] : memref<256xi32, #tpu.memory_space<vmem>> -> memref<32xi32, #tpu.memory_space<vmem>>
    %dma_start3A_19 = arith.constant 0 : i32
    %dma_start3A_20 = arith.constant 0 : i32
    %dma_start3A_21 = tpu.memref_slice %arg2[%dma_start3A_19, %dma_start3A_20] : memref<100000x1024xf32, #tpu.memory_space<hbm>> -> memref<100000x1024xf32, #tpu.memory_space<hbm>>
    tpu.enqueue_indirect_dma source(%dma_start3A_21 : memref<100000x1024xf32, #tpu.memory_space<hbm>>) target(%dma_start3A_16 : memref<32x1024xf32, #tpu.memory_space<vmem>>) offsets(%dma_start3A_18 : memref<32xi32, #tpu.memory_space<vmem>>) semaphore(%arg7 : memref<!tpu.dma_semaphore, #tpu.memory_space<semaphore_mem>>)
    %scan3A = arith.constant 0 : i32
    %scan3A_22 = arith.constant 3 : i32
    %scan3A_23 = arith.addi %scan3A, %scan3A_22 : i32
    %scan3A_24 = arith.constant 1 : i32
    scf.for %scan3A_115 = %scan3A to %scan3A_23 step %scan3A_24  : i32 {
      %mul3A_116 = arith.constant 2 : i32
      %mul3A_117 = arith.muli %scan3A_115, %mul3A_116 : i32
      %add3A_118 = arith.constant 0 : i32
      %add3A_119 = arith.addi %add3A_118, %mul3A_117 : i32
      %add3A_120 = arith.constant 0 : i32
      %add3A_121 = arith.addi %add3A_119, %add3A_120 : i32
      %dma_wait3A_122 = arith.constant 0 : i32
      %dma_wait3A_123 = arith.constant 0 : i32
      %dma_wait3A_124 = arith.constant 0 : i32
      %dma_wait3A_125 = tpu.memref_slice %arg6[%dma_wait3A_122, %dma_wait3A_123, %dma_wait3A_124] : memref<2x32x1024xf32, #tpu.memory_space<vmem>> -> memref<1x32x1024xf32, #tpu.memory_space<vmem>>
      %dma_wait3A_126 = tpu.memref_squeeze %dma_wait3A_125 : memref<1x32x1024xf32, #tpu.memory_space<vmem>> -> memref<32x1024xf32, #tpu.memory_space<vmem>>
      %dma_wait3A_127 = arith.constant 0 : i32
      %dma_wait3A_128 = arith.constant 0 : i32
      %dma_wait3A_129 = tpu.memref_slice %arg4[%dma_wait3A_127, %dma_wait3A_128] : memref<8192x1024xf32, #tpu.memory_space<hbm>> -> memref<32x1024xf32, #tpu.memory_space<hbm>>
      %dma_wait3A_130 = arith.constant 0 : i32
      %dma_wait3A_131 = arith.constant 0 : i32
      %dma_wait3A_132 = tpu.memref_slice %arg6[%dma_wait3A_122, %dma_wait3A_130, %dma_wait3A_131] : memref<2x32x1024xf32, #tpu.memory_space<vmem>> -> memref<1x32x1024xf32, #tpu.memory_space<vmem>>
      %dma_wait3A_133 = tpu.memref_squeeze %dma_wait3A_132 : memref<1x32x1024xf32, #tpu.memory_space<vmem>> -> memref<32x1024xf32, #tpu.memory_space<vmem>>
      %dma_wait3A_134 = arith.constant 0 : i32
      %dma_wait3A_135 = arith.constant 0 : i32
      %dma_wait3A_136 = tpu.memref_slice %arg4[%dma_wait3A_134, %dma_wait3A_135] : memref<8192x1024xf32, #tpu.memory_space<hbm>> -> memref<32x1024xf32, #tpu.memory_space<hbm>>
      tpu.wait_dma2 semaphore(%arg7 : memref<!tpu.dma_semaphore, #tpu.memory_space<semaphore_mem>>) src(%dma_wait3A_136 : memref<32x1024xf32, #tpu.memory_space<hbm>>) dst(%dma_wait3A_133 : memref<32x1024xf32, #tpu.memory_space<vmem>>)
      %mul3A_137 = arith.constant 32 : i32
      %mul3A_138 = arith.muli %add3A_121, %mul3A_137 : i32
      %add3A_139 = arith.addi %mul3A_2, %mul3A_138 : i32
      %dma_start3A_140 = arith.constant 0 : i32
      %dma_start3A_141 = arith.constant 0 : i32
      %dma_start3A_142 = arith.constant 0 : i32
      %dma_start3A_143 = tpu.memref_slice %arg6[%dma_start3A_140, %dma_start3A_141, %dma_start3A_142] : memref<2x32x1024xf32, #tpu.memory_space<vmem>> -> memref<1x32x1024xf32, #tpu.memory_space<vmem>>
      %dma_start3A_144 = tpu.memref_squeeze %dma_start3A_143 : memref<1x32x1024xf32, #tpu.memory_space<vmem>> -> memref<32x1024xf32, #tpu.memory_space<vmem>>
      %dma_start3A_145 = arith.constant 0 : i32
      %dma_start3A_146 = tpu.memref_slice %arg4[%add3A_139, %dma_start3A_145] : memref<8192x1024xf32, #tpu.memory_space<hbm>> -> memref<32x1024xf32, #tpu.memory_space<hbm>>
      %dma_start3A_147 = arith.constant 0 : i32
      %dma_start3A_148 = tpu.memref_slice %arg4[%add3A_139, %dma_start3A_147] : memref<8192x1024xf32, #tpu.memory_space<hbm>> -> memref<32x1024xf32, #tpu.memory_space<hbm>>
      %dma_start3A_149 = arith.constant 0 : i32
      %dma_start3A_150 = arith.constant 0 : i32
      %dma_start3A_151 = tpu.memref_slice %arg6[%dma_start3A_140, %dma_start3A_149, %dma_start3A_150] : memref<2x32x1024xf32, #tpu.memory_space<vmem>> -> memref<1x32x1024xf32, #tpu.memory_space<vmem>>
      %dma_start3A_152 = tpu.memref_squeeze %dma_start3A_151 : memref<1x32x1024xf32, #tpu.memory_space<vmem>> -> memref<32x1024xf32, #tpu.memory_space<vmem>>
      tpu.enqueue_dma source(%dma_start3A_152 : memref<32x1024xf32, #tpu.memory_space<vmem>>) target(%dma_start3A_148 : memref<32x1024xf32, #tpu.memory_space<hbm>>) target_semaphore(%arg8 : memref<!tpu.dma_semaphore, #tpu.memory_space<semaphore_mem>>)
      %dma_wait3A_153 = arith.constant 0 : i32
      %dma_wait3A_154 = arith.constant 0 : i32
      %dma_wait3A_155 = arith.constant 0 : i32
      %dma_wait3A_156 = tpu.memref_slice %arg6[%dma_wait3A_153, %dma_wait3A_154, %dma_wait3A_155] : memref<2x32x1024xf32, #tpu.memory_space<vmem>> -> memref<1x32x1024xf32, #tpu.memory_space<vmem>>
      %dma_wait3A_157 = tpu.memref_squeeze %dma_wait3A_156 : memref<1x32x1024xf32, #tpu.memory_space<vmem>> -> memref<32x1024xf32, #tpu.memory_space<vmem>>
      %dma_wait3A_158 = arith.constant 0 : i32
      %dma_wait3A_159 = arith.constant 0 : i32
      %dma_wait3A_160 = tpu.memref_slice %arg4[%dma_wait3A_158, %dma_wait3A_159] : memref<8192x1024xf32, #tpu.memory_space<hbm>> -> memref<32x1024xf32, #tpu.memory_space<hbm>>
      %dma_wait3A_161 = arith.constant 0 : i32
      %dma_wait3A_162 = arith.constant 0 : i32
      %dma_wait3A_163 = tpu.memref_slice %arg4[%dma_wait3A_161, %dma_wait3A_162] : memref<8192x1024xf32, #tpu.memory_space<hbm>> -> memref<32x1024xf32, #tpu.memory_space<hbm>>
      %dma_wait3A_164 = arith.constant 0 : i32
      %dma_wait3A_165 = arith.constant 0 : i32
      %dma_wait3A_166 = tpu.memref_slice %arg6[%dma_wait3A_153, %dma_wait3A_164, %dma_wait3A_165] : memref<2x32x1024xf32, #tpu.memory_space<vmem>> -> memref<1x32x1024xf32, #tpu.memory_space<vmem>>
      %dma_wait3A_167 = tpu.memref_squeeze %dma_wait3A_166 : memref<1x32x1024xf32, #tpu.memory_space<vmem>> -> memref<32x1024xf32, #tpu.memory_space<vmem>>
      tpu.wait_dma2 semaphore(%arg8 : memref<!tpu.dma_semaphore, #tpu.memory_space<semaphore_mem>>) src(%dma_wait3A_167 : memref<32x1024xf32, #tpu.memory_space<vmem>>) dst(%dma_wait3A_163 : memref<32x1024xf32, #tpu.memory_space<hbm>>)
      %add3A_168 = arith.constant 2 : i32
      %add3A_169 = arith.addi %add3A_121, %add3A_168 : i32
      %mul3A_170 = arith.constant 32 : i32
      %mul3A_171 = arith.muli %add3A_169, %mul3A_170 : i32
      %dma_start3A_172 = arith.constant 0 : i32
      %dma_start3A_173 = arith.constant 0 : i32
      %dma_start3A_174 = arith.constant 0 : i32
      %dma_start3A_175 = tpu.memref_slice %arg6[%dma_start3A_172, %dma_start3A_173, %dma_start3A_174] : memref<2x32x1024xf32, #tpu.memory_space<vmem>> -> memref<1x32x1024xf32, #tpu.memory_space<vmem>>
      %dma_start3A_176 = tpu.memref_squeeze %dma_start3A_175 : memref<1x32x1024xf32, #tpu.memory_space<vmem>> -> memref<32x1024xf32, #tpu.memory_space<vmem>>
      %dma_start3A_177 = tpu.memref_slice %arg5[%mul3A_171] : memref<256xi32, #tpu.memory_space<vmem>> -> memref<32xi32, #tpu.memory_space<vmem>>
      %dma_start3A_178 = arith.constant 0 : i32
      %dma_start3A_179 = arith.constant 0 : i32
      %dma_start3A_180 = tpu.memref_slice %arg2[%dma_start3A_178, %dma_start3A_179] : memref<100000x1024xf32, #tpu.memory_space<hbm>> -> memref<100000x1024xf32, #tpu.memory_space<hbm>>
      tpu.enqueue_indirect_dma source(%dma_start3A_180 : memref<100000x1024xf32, #tpu.memory_space<hbm>>) target(%dma_start3A_176 : memref<32x1024xf32, #tpu.memory_space<vmem>>) offsets(%dma_start3A_177 : memref<32xi32, #tpu.memory_space<vmem>>) semaphore(%arg7 : memref<!tpu.dma_semaphore, #tpu.memory_space<semaphore_mem>>)
      %add3A_181 = arith.constant 1 : i32
      %add3A_182 = arith.addi %add3A_119, %add3A_181 : i32
      %dma_wait3A_183 = arith.constant 1 : i32
      %dma_wait3A_184 = arith.constant 0 : i32
      %dma_wait3A_185 = arith.constant 0 : i32
      %dma_wait3A_186 = tpu.memref_slice %arg6[%dma_wait3A_183, %dma_wait3A_184, %dma_wait3A_185] : memref<2x32x1024xf32, #tpu.memory_space<vmem>> -> memref<1x32x1024xf32, #tpu.memory_space<vmem>>
      %dma_wait3A_187 = tpu.memref_squeeze %dma_wait3A_186 : memref<1x32x1024xf32, #tpu.memory_space<vmem>> -> memref<32x1024xf32, #tpu.memory_space<vmem>>
      %dma_wait3A_188 = arith.constant 0 : i32
      %dma_wait3A_189 = arith.constant 0 : i32
      %dma_wait3A_190 = tpu.memref_slice %arg4[%dma_wait3A_188, %dma_wait3A_189] : memref<8192x1024xf32, #tpu.memory_space<hbm>> -> memref<32x1024xf32, #tpu.memory_space<hbm>>
      %dma_wait3A_191 = arith.constant 0 : i32
      %dma_wait3A_192 = arith.constant 0 : i32
      %dma_wait3A_193 = tpu.memref_slice %arg6[%dma_wait3A_183, %dma_wait3A_191, %dma_wait3A_192] : memref<2x32x1024xf32, #tpu.memory_space<vmem>> -> memref<1x32x1024xf32, #tpu.memory_space<vmem>>
      %dma_wait3A_194 = tpu.memref_squeeze %dma_wait3A_193 : memref<1x32x1024xf32, #tpu.memory_space<vmem>> -> memref<32x1024xf32, #tpu.memory_space<vmem>>
      %dma_wait3A_195 = arith.constant 0 : i32
      %dma_wait3A_196 = arith.constant 0 : i32
      %dma_wait3A_197 = tpu.memref_slice %arg4[%dma_wait3A_195, %dma_wait3A_196] : memref<8192x1024xf32, #tpu.memory_space<hbm>> -> memref<32x1024xf32, #tpu.memory_space<hbm>>
      tpu.wait_dma2 semaphore(%arg7 : memref<!tpu.dma_semaphore, #tpu.memory_space<semaphore_mem>>) src(%dma_wait3A_197 : memref<32x1024xf32, #tpu.memory_space<hbm>>) dst(%dma_wait3A_194 : memref<32x1024xf32, #tpu.memory_space<vmem>>)
      %mul3A_198 = arith.constant 32 : i32
      %mul3A_199 = arith.muli %add3A_182, %mul3A_198 : i32
      %add3A_200 = arith.addi %mul3A_2, %mul3A_199 : i32
      %dma_start3A_201 = arith.constant 1 : i32
      %dma_start3A_202 = arith.constant 0 : i32
      %dma_start3A_203 = arith.constant 0 : i32
      %dma_start3A_204 = tpu.memref_slice %arg6[%dma_start3A_201, %dma_start3A_202, %dma_start3A_203] : memref<2x32x1024xf32, #tpu.memory_space<vmem>> -> memref<1x32x1024xf32, #tpu.memory_space<vmem>>
      %dma_start3A_205 = tpu.memref_squeeze %dma_start3A_204 : memref<1x32x1024xf32, #tpu.memory_space<vmem>> -> memref<32x1024xf32, #tpu.memory_space<vmem>>
      %dma_start3A_206 = arith.constant 0 : i32
      %dma_start3A_207 = tpu.memref_slice %arg4[%add3A_200, %dma_start3A_206] : memref<8192x1024xf32, #tpu.memory_space<hbm>> -> memref<32x1024xf32, #tpu.memory_space<hbm>>
      %dma_start3A_208 = arith.constant 0 : i32
      %dma_start3A_209 = tpu.memref_slice %arg4[%add3A_200, %dma_start3A_208] : memref<8192x1024xf32, #tpu.memory_space<hbm>> -> memref<32x1024xf32, #tpu.memory_space<hbm>>
      %dma_start3A_210 = arith.constant 0 : i32
      %dma_start3A_211 = arith.constant 0 : i32
      %dma_start3A_212 = tpu.memref_slice %arg6[%dma_start3A_201, %dma_start3A_210, %dma_start3A_211] : memref<2x32x1024xf32, #tpu.memory_space<vmem>> -> memref<1x32x1024xf32, #tpu.memory_space<vmem>>
      %dma_start3A_213 = tpu.memref_squeeze %dma_start3A_212 : memref<1x32x1024xf32, #tpu.memory_space<vmem>> -> memref<32x1024xf32, #tpu.memory_space<vmem>>
      tpu.enqueue_dma source(%dma_start3A_213 : memref<32x1024xf32, #tpu.memory_space<vmem>>) target(%dma_start3A_209 : memref<32x1024xf32, #tpu.memory_space<hbm>>) target_semaphore(%arg8 : memref<!tpu.dma_semaphore, #tpu.memory_space<semaphore_mem>>)
      %dma_wait3A_214 = arith.constant 1 : i32
      %dma_wait3A_215 = arith.constant 0 : i32
      %dma_wait3A_216 = arith.constant 0 : i32
      %dma_wait3A_217 = tpu.memref_slice %arg6[%dma_wait3A_214, %dma_wait3A_215, %dma_wait3A_216] : memref<2x32x1024xf32, #tpu.memory_space<vmem>> -> memref<1x32x1024xf32, #tpu.memory_space<vmem>>
      %dma_wait3A_218 = tpu.memref_squeeze %dma_wait3A_217 : memref<1x32x1024xf32, #tpu.memory_space<vmem>> -> memref<32x1024xf32, #tpu.memory_space<vmem>>
      %dma_wait3A_219 = arith.constant 0 : i32
      %dma_wait3A_220 = arith.constant 0 : i32
      %dma_wait3A_221 = tpu.memref_slice %arg4[%dma_wait3A_219, %dma_wait3A_220] : memref<8192x1024xf32, #tpu.memory_space<hbm>> -> memref<32x1024xf32, #tpu.memory_space<hbm>>
      %dma_wait3A_222 = arith.constant 0 : i32
      %dma_wait3A_223 = arith.constant 0 : i32
      %dma_wait3A_224 = tpu.memref_slice %arg4[%dma_wait3A_222, %dma_wait3A_223] : memref<8192x1024xf32, #tpu.memory_space<hbm>> -> memref<32x1024xf32, #tpu.memory_space<hbm>>
      %dma_wait3A_225 = arith.constant 0 : i32
      %dma_wait3A_226 = arith.constant 0 : i32
      %dma_wait3A_227 = tpu.memref_slice %arg6[%dma_wait3A_214, %dma_wait3A_225, %dma_wait3A_226] : memref<2x32x1024xf32, #tpu.memory_space<vmem>> -> memref<1x32x1024xf32, #tpu.memory_space<vmem>>
      %dma_wait3A_228 = tpu.memref_squeeze %dma_wait3A_227 : memref<1x32x1024xf32, #tpu.memory_space<vmem>> -> memref<32x1024xf32, #tpu.memory_space<vmem>>
      tpu.wait_dma2 semaphore(%arg8 : memref<!tpu.dma_semaphore, #tpu.memory_space<semaphore_mem>>) src(%dma_wait3A_228 : memref<32x1024xf32, #tpu.memory_space<vmem>>) dst(%dma_wait3A_224 : memref<32x1024xf32, #tpu.memory_space<hbm>>)
      %add3A_229 = arith.constant 2 : i32
      %add3A_230 = arith.addi %add3A_182, %add3A_229 : i32
      %mul3A_231 = arith.constant 32 : i32
      %mul3A_232 = arith.muli %add3A_230, %mul3A_231 : i32
      %dma_start3A_233 = arith.constant 1 : i32
      %dma_start3A_234 = arith.constant 0 : i32
      %dma_start3A_235 = arith.constant 0 : i32
      %dma_start3A_236 = tpu.memref_slice %arg6[%dma_start3A_233, %dma_start3A_234, %dma_start3A_235] : memref<2x32x1024xf32, #tpu.memory_space<vmem>> -> memref<1x32x1024xf32, #tpu.memory_space<vmem>>
      %dma_start3A_237 = tpu.memref_squeeze %dma_start3A_236 : memref<1x32x1024xf32, #tpu.memory_space<vmem>> -> memref<32x1024xf32, #tpu.memory_space<vmem>>
      %dma_start3A_238 = tpu.memref_slice %arg5[%mul3A_232] : memref<256xi32, #tpu.memory_space<vmem>> -> memref<32xi32, #tpu.memory_space<vmem>>
      %dma_start3A_239 = arith.constant 0 : i32
      %dma_start3A_240 = arith.constant 0 : i32
      %dma_start3A_241 = tpu.memref_slice %arg2[%dma_start3A_239, %dma_start3A_240] : memref<100000x1024xf32, #tpu.memory_space<hbm>> -> memref<100000x1024xf32, #tpu.memory_space<hbm>>
      tpu.enqueue_indirect_dma source(%dma_start3A_241 : memref<100000x1024xf32, #tpu.memory_space<hbm>>) target(%dma_start3A_237 : memref<32x1024xf32, #tpu.memory_space<vmem>>) offsets(%dma_start3A_238 : memref<32xi32, #tpu.memory_space<vmem>>) semaphore(%arg7 : memref<!tpu.dma_semaphore, #tpu.memory_space<semaphore_mem>>)
    }
    %scan3A_25 = arith.constant 3 : i32
    %dma_wait3A = arith.constant 0 : i32
    %dma_wait3A_26 = arith.constant 0 : i32
    %dma_wait3A_27 = arith.constant 0 : i32
    %dma_wait3A_28 = tpu.memref_slice %arg6[%dma_wait3A, %dma_wait3A_26, %dma_wait3A_27] : memref<2x32x1024xf32, #tpu.memory_space<vmem>> -> memref<1x32x1024xf32, #tpu.memory_space<vmem>>
    %dma_wait3A_29 = tpu.memref_squeeze %dma_wait3A_28 : memref<1x32x1024xf32, #tpu.memory_space<vmem>> -> memref<32x1024xf32, #tpu.memory_space<vmem>>
    %dma_wait3A_30 = arith.constant 0 : i32
    %dma_wait3A_31 = arith.constant 0 : i32
    %dma_wait3A_32 = tpu.memref_slice %arg4[%dma_wait3A_30, %dma_wait3A_31] : memref<8192x1024xf32, #tpu.memory_space<hbm>> -> memref<32x1024xf32, #tpu.memory_space<hbm>>
    %dma_wait3A_33 = arith.constant 0 : i32
    %dma_wait3A_34 = arith.constant 0 : i32
    %dma_wait3A_35 = tpu.memref_slice %arg6[%dma_wait3A, %dma_wait3A_33, %dma_wait3A_34] : memref<2x32x1024xf32, #tpu.memory_space<vmem>> -> memref<1x32x1024xf32, #tpu.memory_space<vmem>>
    %dma_wait3A_36 = tpu.memref_squeeze %dma_wait3A_35 : memref<1x32x1024xf32, #tpu.memory_space<vmem>> -> memref<32x1024xf32, #tpu.memory_space<vmem>>
    %dma_wait3A_37 = arith.constant 0 : i32
    %dma_wait3A_38 = arith.constant 0 : i32
    %dma_wait3A_39 = tpu.memref_slice %arg4[%dma_wait3A_37, %dma_wait3A_38] : memref<8192x1024xf32, #tpu.memory_space<hbm>> -> memref<32x1024xf32, #tpu.memory_space<hbm>>
    tpu.wait_dma2 semaphore(%arg7 : memref<!tpu.dma_semaphore, #tpu.memory_space<semaphore_mem>>) src(%dma_wait3A_39 : memref<32x1024xf32, #tpu.memory_space<hbm>>) dst(%dma_wait3A_36 : memref<32x1024xf32, #tpu.memory_space<vmem>>)
    %add3A_40 = arith.constant 192 : i32
    %add3A_41 = arith.addi %mul3A_2, %add3A_40 : i32
    %dma_start3A_42 = arith.constant 0 : i32
    %dma_start3A_43 = arith.constant 0 : i32
    %dma_start3A_44 = arith.constant 0 : i32
    %dma_start3A_45 = tpu.memref_slice %arg6[%dma_start3A_42, %dma_start3A_43, %dma_start3A_44] : memref<2x32x1024xf32, #tpu.memory_space<vmem>> -> memref<1x32x1024xf32, #tpu.memory_space<vmem>>
    %dma_start3A_46 = tpu.memref_squeeze %dma_start3A_45 : memref<1x32x1024xf32, #tpu.memory_space<vmem>> -> memref<32x1024xf32, #tpu.memory_space<vmem>>
    %dma_start3A_47 = arith.constant 0 : i32
    %dma_start3A_48 = tpu.memref_slice %arg4[%add3A_41, %dma_start3A_47] : memref<8192x1024xf32, #tpu.memory_space<hbm>> -> memref<32x1024xf32, #tpu.memory_space<hbm>>
    %dma_start3A_49 = arith.constant 0 : i32
    %dma_start3A_50 = tpu.memref_slice %arg4[%add3A_41, %dma_start3A_49] : memref<8192x1024xf32, #tpu.memory_space<hbm>> -> memref<32x1024xf32, #tpu.memory_space<hbm>>
    %dma_start3A_51 = arith.constant 0 : i32
    %dma_start3A_52 = arith.constant 0 : i32
    %dma_start3A_53 = tpu.memref_slice %arg6[%dma_start3A_42, %dma_start3A_51, %dma_start3A_52] : memref<2x32x1024xf32, #tpu.memory_space<vmem>> -> memref<1x32x1024xf32, #tpu.memory_space<vmem>>
    %dma_start3A_54 = tpu.memref_squeeze %dma_start3A_53 : memref<1x32x1024xf32, #tpu.memory_space<vmem>> -> memref<32x1024xf32, #tpu.memory_space<vmem>>
    tpu.enqueue_dma source(%dma_start3A_54 : memref<32x1024xf32, #tpu.memory_space<vmem>>) target(%dma_start3A_50 : memref<32x1024xf32, #tpu.memory_space<hbm>>) target_semaphore(%arg8 : memref<!tpu.dma_semaphore, #tpu.memory_space<semaphore_mem>>)
    %dma_wait3A_55 = arith.constant 1 : i32
    %dma_wait3A_56 = arith.constant 0 : i32
    %dma_wait3A_57 = arith.constant 0 : i32
    %dma_wait3A_58 = tpu.memref_slice %arg6[%dma_wait3A_55, %dma_wait3A_56, %dma_wait3A_57] : memref<2x32x1024xf32, #tpu.memory_space<vmem>> -> memref<1x32x1024xf32, #tpu.memory_space<vmem>>
    %dma_wait3A_59 = tpu.memref_squeeze %dma_wait3A_58 : memref<1x32x1024xf32, #tpu.memory_space<vmem>> -> memref<32x1024xf32, #tpu.memory_space<vmem>>
    %dma_wait3A_60 = arith.constant 0 : i32
    %dma_wait3A_61 = arith.constant 0 : i32
    %dma_wait3A_62 = tpu.memref_slice %arg4[%dma_wait3A_60, %dma_wait3A_61] : memref<8192x1024xf32, #tpu.memory_space<hbm>> -> memref<32x1024xf32, #tpu.memory_space<hbm>>
    %dma_wait3A_63 = arith.constant 0 : i32
    %dma_wait3A_64 = arith.constant 0 : i32
    %dma_wait3A_65 = tpu.memref_slice %arg6[%dma_wait3A_55, %dma_wait3A_63, %dma_wait3A_64] : memref<2x32x1024xf32, #tpu.memory_space<vmem>> -> memref<1x32x1024xf32, #tpu.memory_space<vmem>>
    %dma_wait3A_66 = tpu.memref_squeeze %dma_wait3A_65 : memref<1x32x1024xf32, #tpu.memory_space<vmem>> -> memref<32x1024xf32, #tpu.memory_space<vmem>>
    %dma_wait3A_67 = arith.constant 0 : i32
    %dma_wait3A_68 = arith.constant 0 : i32
    %dma_wait3A_69 = tpu.memref_slice %arg4[%dma_wait3A_67, %dma_wait3A_68] : memref<8192x1024xf32, #tpu.memory_space<hbm>> -> memref<32x1024xf32, #tpu.memory_space<hbm>>
    tpu.wait_dma2 semaphore(%arg7 : memref<!tpu.dma_semaphore, #tpu.memory_space<semaphore_mem>>) src(%dma_wait3A_69 : memref<32x1024xf32, #tpu.memory_space<hbm>>) dst(%dma_wait3A_66 : memref<32x1024xf32, #tpu.memory_space<vmem>>)
    %add3A_70 = arith.constant 224 : i32
    %add3A_71 = arith.addi %mul3A_2, %add3A_70 : i32
    %dma_start3A_72 = arith.constant 1 : i32
    %dma_start3A_73 = arith.constant 0 : i32
    %dma_start3A_74 = arith.constant 0 : i32
    %dma_start3A_75 = tpu.memref_slice %arg6[%dma_start3A_72, %dma_start3A_73, %dma_start3A_74] : memref<2x32x1024xf32, #tpu.memory_space<vmem>> -> memref<1x32x1024xf32, #tpu.memory_space<vmem>>
    %dma_start3A_76 = tpu.memref_squeeze %dma_start3A_75 : memref<1x32x1024xf32, #tpu.memory_space<vmem>> -> memref<32x1024xf32, #tpu.memory_space<vmem>>
    %dma_start3A_77 = arith.constant 0 : i32
    %dma_start3A_78 = tpu.memref_slice %arg4[%add3A_71, %dma_start3A_77] : memref<8192x1024xf32, #tpu.memory_space<hbm>> -> memref<32x1024xf32, #tpu.memory_space<hbm>>
    %dma_start3A_79 = arith.constant 0 : i32
    %dma_start3A_80 = tpu.memref_slice %arg4[%add3A_71, %dma_start3A_79] : memref<8192x1024xf32, #tpu.memory_space<hbm>> -> memref<32x1024xf32, #tpu.memory_space<hbm>>
    %dma_start3A_81 = arith.constant 0 : i32
    %dma_start3A_82 = arith.constant 0 : i32
    %dma_start3A_83 = tpu.memref_slice %arg6[%dma_start3A_72, %dma_start3A_81, %dma_start3A_82] : memref<2x32x1024xf32, #tpu.memory_space<vmem>> -> memref<1x32x1024xf32, #tpu.memory_space<vmem>>
    %dma_start3A_84 = tpu.memref_squeeze %dma_start3A_83 : memref<1x32x1024xf32, #tpu.memory_space<vmem>> -> memref<32x1024xf32, #tpu.memory_space<vmem>>
    tpu.enqueue_dma source(%dma_start3A_84 : memref<32x1024xf32, #tpu.memory_space<vmem>>) target(%dma_start3A_80 : memref<32x1024xf32, #tpu.memory_space<hbm>>) target_semaphore(%arg8 : memref<!tpu.dma_semaphore, #tpu.memory_space<semaphore_mem>>)
    %dma_wait3A_85 = arith.constant 0 : i32
    %dma_wait3A_86 = arith.constant 0 : i32
    %dma_wait3A_87 = arith.constant 0 : i32
    %dma_wait3A_88 = tpu.memref_slice %arg6[%dma_wait3A_85, %dma_wait3A_86, %dma_wait3A_87] : memref<2x32x1024xf32, #tpu.memory_space<vmem>> -> memref<1x32x1024xf32, #tpu.memory_space<vmem>>
    %dma_wait3A_89 = tpu.memref_squeeze %dma_wait3A_88 : memref<1x32x1024xf32, #tpu.memory_space<vmem>> -> memref<32x1024xf32, #tpu.memory_space<vmem>>
    %dma_wait3A_90 = arith.constant 0 : i32
    %dma_wait3A_91 = arith.constant 0 : i32
    %dma_wait3A_92 = tpu.memref_slice %arg4[%dma_wait3A_90, %dma_wait3A_91] : memref<8192x1024xf32, #tpu.memory_space<hbm>> -> memref<32x1024xf32, #tpu.memory_space<hbm>>
    %dma_wait3A_93 = arith.constant 0 : i32
    %dma_wait3A_94 = arith.constant 0 : i32
    %dma_wait3A_95 = tpu.memref_slice %arg4[%dma_wait3A_93, %dma_wait3A_94] : memref<8192x1024xf32, #tpu.memory_space<hbm>> -> memref<32x1024xf32, #tpu.memory_space<hbm>>
    %dma_wait3A_96 = arith.constant 0 : i32
    %dma_wait3A_97 = arith.constant 0 : i32
    %dma_wait3A_98 = tpu.memref_slice %arg6[%dma_wait3A_85, %dma_wait3A_96, %dma_wait3A_97] : memref<2x32x1024xf32, #tpu.memory_space<vmem>> -> memref<1x32x1024xf32, #tpu.memory_space<vmem>>
    %dma_wait3A_99 = tpu.memref_squeeze %dma_wait3A_98 : memref<1x32x1024xf32, #tpu.memory_space<vmem>> -> memref<32x1024xf32, #tpu.memory_space<vmem>>
    tpu.wait_dma2 semaphore(%arg8 : memref<!tpu.dma_semaphore, #tpu.memory_space<semaphore_mem>>) src(%dma_wait3A_99 : memref<32x1024xf32, #tpu.memory_space<vmem>>) dst(%dma_wait3A_95 : memref<32x1024xf32, #tpu.memory_space<hbm>>)
    %dma_wait3A_100 = arith.constant 1 : i32
    %dma_wait3A_101 = arith.constant 0 : i32
    %dma_wait3A_102 = arith.constant 0 : i32
    %dma_wait3A_103 = tpu.memref_slice %arg6[%dma_wait3A_100, %dma_wait3A_101, %dma_wait3A_102] : memref<2x32x1024xf32, #tpu.memory_space<vmem>> -> memref<1x32x1024xf32, #tpu.memory_space<vmem>>
    %dma_wait3A_104 = tpu.memref_squeeze %dma_wait3A_103 : memref<1x32x1024xf32, #tpu.memory_space<vmem>> -> memref<32x1024xf32, #tpu.memory_space<vmem>>
    %dma_wait3A_105 = arith.constant 0 : i32
    %dma_wait3A_106 = arith.constant 0 : i32
    %dma_wait3A_107 = tpu.memref_slice %arg4[%dma_wait3A_105, %dma_wait3A_106] : memref<8192x1024xf32, #tpu.memory_space<hbm>> -> memref<32x1024xf32, #tpu.memory_space<hbm>>
    %dma_wait3A_108 = arith.constant 0 : i32
    %dma_wait3A_109 = arith.constant 0 : i32
    %dma_wait3A_110 = tpu.memref_slice %arg4[%dma_wait3A_108, %dma_wait3A_109] : memref<8192x1024xf32, #tpu.memory_space<hbm>> -> memref<32x1024xf32, #tpu.memory_space<hbm>>
    %dma_wait3A_111 = arith.constant 0 : i32
    %dma_wait3A_112 = arith.constant 0 : i32
    %dma_wait3A_113 = tpu.memref_slice %arg6[%dma_wait3A_100, %dma_wait3A_111, %dma_wait3A_112] : memref<2x32x1024xf32, #tpu.memory_space<vmem>> -> memref<1x32x1024xf32, #tpu.memory_space<vmem>>
    %dma_wait3A_114 = tpu.memref_squeeze %dma_wait3A_113 : memref<1x32x1024xf32, #tpu.memory_space<vmem>> -> memref<32x1024xf32, #tpu.memory_space<vmem>>
    tpu.wait_dma2 semaphore(%arg8 : memref<!tpu.dma_semaphore, #tpu.memory_space<semaphore_mem>>) src(%dma_wait3A_114 : memref<32x1024xf32, #tpu.memory_space<vmem>>) dst(%dma_wait3A_110 : memref<32x1024xf32, #tpu.memory_space<hbm>>)
    return
  }
}

</mosaic_0001>

<sc_bundles>
// kernel: _embed_gather.3.cloned.1.call-start
scs
__scs_entry_jumppad:
0x0: {  	(pc) =	sbr.rel $0x88, $3  }
0x1: {  	(tag) =	ssettag $0x0;
	lr =	simm.s32 $0x1  }
0x2: {  	[smem:$0x3F9F] =	sst lr;
	_ =	strace $0xD0000000  }
0x3: {  	_ = 	snop  }
0x4: {  	_ = 	snop  }
0x5: {  	_ = 	snop  }
0x6: {  	_ = 	snop  }
0x7: {  	_ = 	snop  }
__scs_overlays_trampoline_lowered:
0x8: {  	[smem:$0x3FAE] =	sst s0  }
0x9: {  	[smem:$0x3FAF] =	sst s1  }
0xa: {  	[smem:$0x3FB0] =	sst s2  }
0xb: {  	[smem:$0x3FB1] =	sst s3  }
0xc: {  	[smem:$0x3FB2] =	sst s4  }
0xd: {  	[smem:$0x3FB3] =	sst s5  }
0xe: {  	[smem:$0x3FB4] =	sst s6  }
0xf: {  	[smem:$0x3FB5] =	sst s7  }
0x10: {  	[smem:$0x3FB6] =	sst s8  }
0x11: {  	[smem:$0x3FB7] =	sst s9;
	s0 =	simm.s32 @!p0 $0x0  }
0x12: {  	s1 =	sld [smem:$0x3F9D];
	s0 =	simm.s32 @p0 $0x1  }
0x13: {  	[smem:$0x3FB8] =	sst s0;
	s0 =	simm.s32 @!p1 $0x0  }
0x14: {  	s2 =	sld [smem:$0x3F9C];
	s0 =	simm.s32 @p1 $0x1  }
0x15: {  	[smem:$0x3FB9] =	sst s0;
	s0 =	simm.s32 @!p2 $0x0  }
0x16: {  	s3 =	sld [smem:$0x3FDB];
	s0 =	simm.s32 @p2 $0x1  }
0x17: {  	s4 =	simm.s32 $0x1BF5;
	[smem:$0x3FBB] =	sst s0  }
0x18: {  	s0 =	sld [smem:$0x3F9E];
	_ =	swait.ge [sflag:s4], $0x0  }
0x19: {  	s7 =	sld [smem:$0x3F9F]  }
0x1a: {  	s8 =	sadd.s32 $0xFFFFE003, lr  }
0x1b: {  	s9 =	sadd.s32 $0xFFFFFEF7, lr;
	s5 =	simm.s32 $0xFFFFFFFF;
	p2 =	slt.u32 s8, $0xFFFFF086  }
0x1c: {  	p1 =	slt.u32 s9, $0xF7A;
	s5 =	simm.s32 @!p2 $0x0  }
0x1d: {  	s5 =	simm.s32 @p1 $0x1;
	p0 =	seq.s32 s7, s2  }
0x1e: {  	s7 =	smul.u32 @!p0 $0xF7A, s2;
	p2 =	seq.s32 @!p0 s5, $0x0  }
0x1f: {  	s9 =	smul.u32 $0xF7A, s1;
	s8 =	simm.s32 @!p0 $0x1BF5;
	p2 =	por !p2, p0  }
0x20: {  	[sflag:s8] =	ssyncset.s32 @!p0 $0xFFFFF086;
	s6 =	sadd.s32 @!p0 s3, s7;
	s7 =	simm.s32 @!p0 $0x108  }
0x21: {  	s3 =	sadd.s32 s3, s9;
	s6 =	sadd.s32 @!p0 $0x88, s6;
	s7 =	simm.s32 @p2 $0x1082  }
0x22: {  	[simem:s7], [sflag:s8] =	dma.local @!p0 [hbm:s6], $0xF7A  }
0x23: {  	s9 =	sor.u32 $0xD0000000, s2;
	s6 =	simm.s32 $0x108;
	_ =	swait.ge @!p0 [sflag:s8], $0x0  }
0x24: {  	s3 =	sadd.s32 $0x88, s3;
	s6 =	simm.s32 @!p1 $0x1082;
	[sflag:s4] =	ssyncset.s32 $0xFFFFF086  }
0x25: {  	[simem:s6], [sflag:s4] =	dma.local [hbm:s3], $0xF7A  }
0x26: {  	[smem:$0x3F9F] =	sst s1;
	(tag) =	ssettag s2;
	_ =	strace s9  }
0x27: {  	s1 =	sld [smem:$0x3FAF]  }
0x28: {  	s2 =	sld [smem:$0x3FB0]  }
0x29: {  	s4 =	sld [smem:$0x3FB2]  }
0x2a: {  	p0 =	seq.s32 s5, $0x0;
	s5 =	sld [smem:$0x3FB3]  }
0x2b: {  	s6 =	sld [smem:$0x3FB4]  }
0x2c: {  	s7 =	sld [smem:$0x3FB5]  }
0x2d: {  	s3 =	simm.s32 $0x108;
	s8 =	sld [smem:$0x3FB6]  }
0x2e: {  	s3 =	simm.s32 @!p0 $0x1082;
	s9 =	sld [smem:$0x3FB7]  }
0x2f: {  	lr =	sadd.s32 s0, s3;
	s0 =	sld [smem:$0x3FAE]  }
0x30: {  	s3 =	sld [smem:$0x3FB1]  }
0x31: {  	[smem:$0x3FBA] =	sst s10  }
0x32: {  	s10 =	sld [smem:$0x3FB8];
	_ =	sdelay $0x3  }
0x33: {  	p0 =	seq.s32 s10, $0x1;
	s10 =	sld [smem:$0x3FBA];
	_ =	sdelay $0x3  }
0x34: {  	[smem:$0x3FBA] =	sst s10  }
0x35: {  	s10 =	sld [smem:$0x3FB9];
	_ =	sdelay $0x3  }
0x36: {  	p1 =	seq.s32 s10, $0x1;
	s10 =	sld [smem:$0x3FBA];
	_ =	sdelay $0x3  }
0x37: {  	[smem:$0x3FBA] =	sst s10  }
0x38: {  	s10 =	sld [smem:$0x3FBB]  }
0x39: {  	_ = 	snop;
	(pc) =	sbr.ind lr, $3  }
0x3a: {  	_ = 	snop  }
0x3b: {  	_ = 	snop  }
0x3c: {  	p2 =	seq.s32 s10, $0x1;
	s10 =	sld [smem:$0x3FBA]  }
0x3d: {  	_ =	shalt  }
0x3e: {  	_ =	shalt  }
0x3f: {  	_ =	shalt  }
0x40: {  	_ =	shalt  }
0x41: {  	_ =	shalt  }
0x42: {  	_ =	shalt  }
0x43: {  	_ =	shalt  }
0x44: {  	_ =	shalt  }
0x45: {  	_ =	shalt  }
0x46: {  	_ =	shalt  }
0x47: {  	_ =	shalt  }
0x48: {  	_ =	shalt  }
0x49: {  	_ =	shalt  }
0x4a: {  	_ =	shalt  }
0x4b: {  	_ =	shalt  }
0x4c: {  	_ =	shalt  }
0x4d: {  	_ =	shalt  }
0x4e: {  	_ =	shalt  }
0x4f: {  	_ =	shalt  }
0x50: {  	_ =	shalt  }
0x51: {  	_ =	shalt  }
0x52: {  	_ =	shalt  }
0x53: {  	_ =	shalt  }
0x54: {  	_ =	shalt  }
0x55: {  	_ =	shalt  }
0x56: {  	_ =	shalt  }
0x57: {  	_ =	shalt  }
0x58: {  	_ =	shalt  }
0x59: {  	_ =	shalt  }
0x5a: {  	_ =	shalt  }
0x5b: {  	_ =	shalt  }
0x5c: {  	_ =	shalt  }
0x5d: {  	_ =	shalt  }
0x5e: {  	_ =	shalt  }
0x5f: {  	_ =	shalt  }
0x60: {  	_ =	shalt  }
0x61: {  	_ =	shalt  }
0x62: {  	_ =	shalt  }
0x63: {  	_ =	shalt  }
0x64: {  	_ =	shalt  }
0x65: {  	_ =	shalt  }
0x66: {  	_ =	shalt  }
0x67: {  	_ =	shalt  }
0x68: {  	_ =	shalt  }
0x69: {  	_ =	shalt  }
0x6a: {  	_ =	shalt  }
0x6b: {  	_ =	shalt  }
0x6c: {  	_ =	shalt  }
0x6d: {  	_ =	shalt  }
0x6e: {  	_ =	shalt  }
0x6f: {  	_ =	shalt  }
0x70: {  	_ =	shalt  }
0x71: {  	_ =	shalt  }
0x72: {  	_ =	shalt  }
0x73: {  	_ =	shalt  }
0x74: {  	_ =	shalt  }
0x75: {  	_ =	shalt  }
0x76: {  	_ =	shalt  }
0x77: {  	_ =	shalt  }
0x78: {  	_ =	shalt  }
0x79: {  	_ =	shalt  }
0x7a: {  	_ =	shalt  }
0x7b: {  	_ =	shalt  }
0x7c: {  	_ =	shalt  }
0x7d: {  	_ =	shalt  }
0x7e: {  	_ =	shalt  }
0x7f: {  	_ =	shalt  }
0x80: {  	_ =	shalt  }
0x81: {  	_ =	shalt  }
0x82: {  	_ =	shalt  }
0x83: {  	_ =	shalt  }
0x84: {  	_ =	shalt  }
0x85: {  	_ =	shalt  }
0x86: {  	_ =	shalt  }
0x87: {  	_ =	shalt  }
.Lfunc_end0:
.L_simem_size_0:
called_computation_lowered:
.L_overlay_start_0:
0x88: {  	s2 =	sld [smem:$0x3FD9]  }
0x89: {  	s3 =	sld [smem:$0x3FFE];
	_ =	sdelay $0x1  }
0x8a: {  	s1 =	srdreg.scid  }
0x8b: {  	s0 =	sand.u32 $0x1, s1  }
0x8c: {  	s18 =	sshll.u32 s0, $0xA;
	s2 =	sadd.s32 s3, s2  }
0x8d: {  	s2 =	sadd.s32 s2, s18  }
0x8e: {  	[smem:$0x3FC6] =	sst s2  }
0x8f: {  	_ = 	snop  }
0x90: {  	s2 =	sld [smem:$0x3FC9]  }
0x91: {  	s19 =	sld [smem:$0x3FC8]  }
0x92: {  	s4 =	sld [smem:$0x3FD0];
	(tm) =	ssettm $0x1  }
0x93: {  	s5 =	sld [smem:$0x3FFB];
	_ =	sdelay $0x3  }
0x94: {  	_ =	strace s5  }
0x95: {  	s5 =	sld [smem:$0x3FFC];
	_ =	sdelay $0x3  }
0x96: {  	_ =	strace s5  }
0x97: {  	s5 =	sld [smem:$0x3FFD];
	_ =	sdelay $0x3  }
0x98: {  	_ =	strace s5  }
0x99: {  	_ =	strace $0x8FFFFFFF  }
0x9a: {  	s20 =	sld [smem:$0x3FDB];
	_ =	sdelay $0x1  }
0x9b: {  	s6 =	simm.s32 $_scs_section_size  }
0x9c: {  	s7 =	simm.s32 $_size__tile_overlayer_lowered;
	s8 =	simm.s32 $_tile_overlayer_lowered  }
0x9d: {  	s23 =	simm.s32 $0x1BFF;
	s22 =	sshll.u32 s8, $0x1;
	s5 =	sadd.s32 s6, s20  }
0x9e: {  	s9 =	simm.s32 $0x0;
	s21 =	sshll.u32 s7, $0x1;
	s7 =	sadd.s32 s22, s5  }
0x9f: {  	[timem:s9], [sflag:s23] =	dma.local [hbm:s7], s21  }
0xa0: {  	_ =	swait.ge [sflag:s23], s21  }
0xa1: {  	s6 =	ssub.s32 $0x0, s21;
	[sflag:s23] =	ssyncset.done $0x0  }
0xa2: {  	[sflag:s23] =	ssyncadd.s32 s6;
	_ =	sdelay $0x1  }
0xa3: {  	s24 =	simm.s32 $0x1B8B  }
0xa4: {  	_ =	swait.ge [sflag:s24], $0x1  }
0xa5: {  	[sflag:s24] =	ssyncset.done $0x0  }
0xa6: {  	s25 =	simm.s32 $0x1B8E;
	[sflag:s24] =	ssyncadd.s32 $0xFFFFFFFF  }
0xa7: {  	s26 =	simm.s32 $execute0_lowered;
	[smem:$0x3FD2] =	sst s25  }
0xa8: {  	s6 =	sshll.u32 s26, $0x1;
	_ =	strace $0x80000046;
	[dreg:$0x1] =	wrdreg $0xFFFFFFFF  }
0xa9: {  	s28 =	simm.s32 $_size_execute0_lowered;
	s5 =	sadd.s32 s5, s6;
	[dreg:$0x0] =	wrdreg $0x0  }
0xaa: {  	s6 =	sshll.u32 s28, $0x1;
	[dreg:$0x2] =	wrdreg s5  }
0xab: {  	[dreg:$0x3] =	wrdreg s6  }
0xac: {  	[dreg:$0x4] =	wrdreg $0xC0  }
0xad: {  	_ =	task [dreg:s9], $0x5FFFF  }
0xae: {  	[dreg:$0x1] =	wrdreg $0xFFFFFFFF  }
0xaf: {  	[dreg:$0x0] =	wrdreg $0x60  }
0xb0: {  	[dreg:$0x2] =	wrdreg s19  }
0xb1: {  	[dreg:$0x3] =	wrdreg s2  }
0xb2: {  	[dreg:$0x4] =	wrdreg s4  }
0xb3: {  	[dreg:$0x5] =	wrdreg $0x9  }
0xb4: {  	_ =	task.clear_ibuf [dreg:s9], $0x6FFFF;
	_ =	strace $0x90000046  }
0xb5: {  	s29 =	simm.s32 $0x9;
	_ =	strace $0x80000048  }
0xb6: {  	_ =	swait.ge [sflag:s29], $0x1  }
0xb7: {  	[sflag:s29] =	ssyncadd.s32 $0xFFFFFFFF  }
0xb8: {  	_ =	strace $0x90000048  }
0xb9: {  	_ =	sfence  }
0xba: {  	s30 =	sld [smem:$0x0];
	_ =	sdelay $0x2  }
0xbb: {  	s31 =	sshll.u32 s1, $0xD;
	s1 =	sshrl.u32 s1, $0x2  }
0xbc: {  	s3 =	sand.u32 $0x4000, s31;
	s1 =	sadd.s32 s1, s30  }
0xbd: {  	s0 =	sor.u32 s3, s0;
	s1 =	sshll.u32 s1, $0x11  }
0xbe: {  	s0 =	sor.u32 s1, s0  }
0xbf: {  	s0 =	sadd.s32 $0x8F2B, s0  }
0xc0: {  	[sflag:s0] =	ssyncadd.remote.s32 $0x1  }
0xc1: {  	_ =	sfence.sel $0xFFFF  }
0xc2: {  	[dreg:$0x0] =	wrdreg $0xFFFFFFFF;
	(pc) =	sbr.abs _section_cstart, $3  }
0xc3: {  	[dreg:$0x1] =	wrdreg $0xFFFFFFFF  }
0xc4: {  	_ =	task.clear_ibuf [dreg:s9], $0x2FFFF;
	_ =	strace $0x9FFFFFFF  }
0xc5: {  	(tm) =	ssettm $0x7FFFFFFF  }
tec
execute0_lowered:
.L_overlay_start_1:
0x0: {  	(tag) =	ssettag $0x1  }
0x1: {  	s1 =	rddreg [dreg:$0x0]  }
0x2: {  	s0 =	rddreg [dreg:$0x1]  }
0x3: {  	s2 =	rddreg [dreg:$0x2];
	s3 =	srdreg.scid  }
0x4: {  	s10 =	stileid.u32;
	s31 =	simm.s32 $0x1100;
	s28 =	simm.s32 $0x3100  }
0x5: {  	s30 =	simm.s32 $0x3900;
	s11 =	simm.s32 $0x6900;
	s13 =	simm.s32 $0x7100  }
0x6: {  	s14 =	simm.s32 $0x7900;
	s15 =	simm.s32 $0x8900;
	s16 =	simm.s32 $0x9100  }
0x7: {  	s17 =	simm.s32 $0x9900;
	s18 =	simm.s32 $0xA100;
	s12 =	simm.s32 $0xA900  }
0x8: {  	s29 =	simm.s32 $0xB100;
	s19 =	simm.s32 $0x1;
	s20 =	simm.s32 $0x2  }
0x9: {  	s21 =	simm.s32 $0x0;
	s4 =	sand.u32 $0x1, s3;
	s3 =	simm.s32 $0x0  }
0xa: {  	s5 =	sshll.u32 s10, $0x9;
	s24 =	sshll.u32 s10, $0x10;
	s10 =	simm.s32 $0x6100  }
0xb: {  	s6 =	sshll.u32 s4, $0x8;
	[smem:$0x7FF] =	sst s3;
	s7 =	ssub.s32 $0x2, s4  }
0xc: {  	s4 =	sshll.u32 s4, $0xF;
	s8 =	sor.u32 s6, s5;
	_ =	strace $0x80000047  }
0xd: {  	s22 =	sshrl.u32 s7, $0x1;
	s5 =	sadd.s32 $0x100, s1;
	[dreg:$0x9] =	wrdreg s21  }
0xe: {  	s6 =	sshrl.u32 s8, $0x3;
	s9 =	ssub.s32 s7, s22;
	s23 =	sshll.u32 s8, $0x7  }
0xf: {  	s7 =	sadd.s32 $0x300, s1;
	s22 =	simm.s32 $0x900;
	s8 =	simm.s32 $0x5100  }
0x10: {  	s0 =	sadd.s32 s0, s6;
	s6 =	sadd.s32 $0x200, s1;
	s26 =	smax.u32 s9, $0x1  }
0x11: {  	s9 =	simm.s32 $0x5900;
	[dreg:$0x5] =	wrdreg s0;
	s0 =	sadd.s32 s23, s2  }
0x12: {  	s2 =	sadd.s32 s24, s2;
	[dreg:$0x8] =	wrdreg s26;
	s25 =	sadd.s32 $0x6000, s0  }
0x13: {  	s24 =	simm.s32 $0x1900;
	s0 =	sadd.s32 $0x7000, s0;
	[dreg:$0x6] =	wrdreg s25  }
0x14: {  	v2 =	vlaneseq.u32;
	s26 =	simm.s32 $0x2900;
	s2 =	sadd.s32 s4, s2;
	[dreg:$0x7] =	wrdreg s0  }
0x15: {  	vm0 =	vmmov $0xffff;
	v1 =	vshrl.u32 v2, $0x3;
	s23 =	simm.s32 $0x8100;
	s4 =	simm.s32 $0x4900;
	[dreg:$0x4] =	wrdreg s2  }
0x16: {  	v0 =	vand.u32 $0x7, v2;
	v2 =	vor.u32 $0x8, v2;
	v1 =	vmul.u32 $0x8, v1;
	s0 =	simm.s32 $0x100;
	s25 =	simm.s32 $0x2100;
	s2 =	simm.s32 $0x4100  }
.LBB2_1:
0x17: {  	s21 =	rddreg [dreg:$0x5]  }
0x18: {  	[tilespmem:s3], [sflag:$0x3] =	stream.linear.gather [hbm4b:s21+s3], $0x100, $0x38;
	[tilespmem:$0x10100] =	vst v63  }
0x19: {  	s21 =	simm.s32 $0x3  }
0x1a: {  	_ =	swait.ge [sflag:s21], $0x100  }
0x1b: {  	[sflag:s21] =	ssyncset.done $0x0  }
0x1c: {  	[sflag:s21] =	ssyncadd.s32 $0xFFFFFF00  }
0x1d: {  	v3 =	vld [tilespmem:$0x0];
	_ =	sdelay $0x4  }
0x1e: {  	v4 =	vshll.u32 v3, $0x3  }
0x1f: {  	v3 =	vand.u32 $0x7, v3;
	v4 =	vand.u32 $0xFFFFFFC0, v4  }
0x20: {  	v3 =	vor.u32 v3, v4  }
0x21: {  	v4 =	vperm.xlane v3, v0;
	_ =	sdelay $0x1  }
0x22: {  	v4 =	vadd.s32 v1, v4;
	_ =	sdelay $0x4  }
0x23: {  	[tilespmem:s0], [sflag:$0x1] =	stream.indirect_vreg.gather [hbm4b:s1+s3], $0x80, v4, vm0, $0xb8;
	[tilespmem:$0x10100] =	vst v63  }
0x24: {  	v3 =	vperm.xlane v3, v2  }
0x25: {  	[tilespmem:s22], [sflag:$0x1] =	stream.indirect_vreg.gather [hbm4b:s5+s3], $0x80, v4, vm0, $0xb8;
	[tilespmem:$0x10100] =	vst v63  }
0x26: {  	v3 =	vadd.s32 v1, v3  }
0x27: {  	[tilespmem:s31], [sflag:$0x1] =	stream.indirect_vreg.gather [hbm4b:s6+s3], $0x80, v4, vm0, $0xb8;
	[tilespmem:$0x10100] =	vst v63  }
0x28: {  	_ = 	snop  }
0x29: {  	[tilespmem:s24], [sflag:$0x1] =	stream.indirect_vreg.gather [hbm4b:s7+s3], $0x80, v4, vm0, $0xb8;
	[tilespmem:$0x10100] =	vst v63  }
0x2a: {  	_ = 	snop  }
0x2b: {  	[tilespmem:s25], [sflag:$0x1] =	stream.indirect_vreg.gather [hbm4b:s1+s3], $0x80, v3, vm0, $0xb8;
	[tilespmem:$0x10100] =	vst v63  }
0x2c: {  	_ = 	snop  }
0x2d: {  	[tilespmem:s26], [sflag:$0x1] =	stream.indirect_vreg.gather [hbm4b:s5+s3], $0x80, v3, vm0, $0xb8;
	[tilespmem:$0x10100] =	vst v63  }
0x2e: {  	_ = 	snop  }
0x2f: {  	[tilespmem:s28], [sflag:$0x1] =	stream.indirect_vreg.gather [hbm4b:s6+s3], $0x80, v3, vm0, $0xb8;
	[tilespmem:$0x10100] =	vst v63  }
0x30: {  	_ = 	snop  }
0x31: {  	[tilespmem:s30], [sflag:$0x1] =	stream.indirect_vreg.gather [hbm4b:s7+s3], $0x80, v3, vm0, $0xb8;
	[tilespmem:$0x10100] =	vst v63  }
0x32: {  	v3 =	vld [tilespmem:$0x10];
	_ =	sdelay $0x4  }
0x33: {  	v61 =	vshll.u32 v3, $0x3  }
0x34: {  	v3 =	vand.u32 $0x7, v3;
	v4 =	vand.u32 $0xFFFFFFC0, v61  }
0x35: {  	v3 =	vor.u32 v3, v4  }
0x36: {  	v4 =	vperm.xlane v3, v0;
	_ =	sdelay $0x1  }
0x37: {  	v4 =	vadd.s32 v1, v4;
	_ =	sdelay $0x4  }
0x38: {  	[tilespmem:s2], [sflag:$0x1] =	stream.indirect_vreg.gather [hbm4b:s1+s3], $0x80, v4, vm0, $0xb8;
	[tilespmem:$0x10100] =	vst v63  }
0x39: {  	v3 =	vperm.xlane v3, v2  }
0x3a: {  	[tilespmem:s4], [sflag:$0x1] =	stream.indirect_vreg.gather [hbm4b:s5+s3], $0x80, v4, vm0, $0xb8;
	[tilespmem:$0x10100] =	vst v63  }
0x3b: {  	v3 =	vadd.s32 v1, v3  }
0x3c: {  	[tilespmem:s8], [sflag:$0x1] =	stream.indirect_vreg.gather [hbm4b:s6+s3], $0x80, v4, vm0, $0xb8;
	[tilespmem:$0x10100] =	vst v63  }
0x3d: {  	_ = 	snop  }
0x3e: {  	[tilespmem:s9], [sflag:$0x1] =	stream.indirect_vreg.gather [hbm4b:s7+s3], $0x80, v4, vm0, $0xb8;
	[tilespmem:$0x10100] =	vst v63  }
0x3f: {  	_ = 	snop  }
0x40: {  	[tilespmem:s10], [sflag:$0x1] =	stream.indirect_vreg.gather [hbm4b:s1+s3], $0x80, v3, vm0, $0xb8;
	[tilespmem:$0x10100] =	vst v63  }
0x41: {  	_ = 	snop  }
0x42: {  	[tilespmem:s11], [sflag:$0x1] =	stream.indirect_vreg.gather [hbm4b:s5+s3], $0x80, v3, vm0, $0xb8;
	[tilespmem:$0x10100] =	vst v63  }
0x43: {  	_ = 	snop  }
0x44: {  	[tilespmem:s13], [sflag:$0x1] =	stream.indirect_vreg.gather [hbm4b:s6+s3], $0x80, v3, vm0, $0xb8;
	[tilespmem:$0x10100] =	vst v63  }
0x45: {  	_ = 	snop  }
0x46: {  	[tilespmem:s14], [sflag:$0x1] =	stream.indirect_vreg.gather [hbm4b:s7+s3], $0x80, v3, vm0, $0xb8;
	[tilespmem:$0x10100] =	vst v63  }
0x47: {  	v3 =	vld [tilespmem:$0x20];
	_ =	sdelay $0x4  }
0x48: {  	v62 =	vshll.u32 v3, $0x3  }
0x49: {  	v3 =	vand.u32 $0x7, v3;
	v4 =	vand.u32 $0xFFFFFFC0, v62  }
0x4a: {  	v3 =	vor.u32 v3, v4  }
0x4b: {  	v4 =	vperm.xlane v3, v0;
	_ =	sdelay $0x1  }
0x4c: {  	v4 =	vadd.s32 v1, v4;
	_ =	sdelay $0x4  }
0x4d: {  	[tilespmem:s23], [sflag:$0x1] =	stream.indirect_vreg.gather [hbm4b:s1+s3], $0x80, v4, vm0, $0xb8;
	[tilespmem:$0x10100] =	vst v63  }
0x4e: {  	v3 =	vperm.xlane v3, v2  }
0x4f: {  	[tilespmem:s15], [sflag:$0x1] =	stream.indirect_vreg.gather [hbm4b:s5+s3], $0x80, v4, vm0, $0xb8;
	[tilespmem:$0x10100] =	vst v63  }
0x50: {  	v3 =	vadd.s32 v1, v3  }
0x51: {  	[tilespmem:s16], [sflag:$0x1] =	stream.indirect_vreg.gather [hbm4b:s6+s3], $0x80, v4, vm0, $0xb8;
	[tilespmem:$0x10100] =	vst v63  }
0x52: {  	_ = 	snop  }
0x53: {  	[tilespmem:s17], [sflag:$0x1] =	stream.indirect_vreg.gather [hbm4b:s7+s3], $0x80, v4, vm0, $0xb8;
	[tilespmem:$0x10100] =	vst v63  }
0x54: {  	_ = 	snop  }
0x55: {  	[tilespmem:s18], [sflag:$0x1] =	stream.indirect_vreg.gather [hbm4b:s1+s3], $0x80, v3, vm0, $0xb8;
	[tilespmem:$0x10100] =	vst v63  }
0x56: {  	_ = 	snop  }
0x57: {  	[tilespmem:s12], [sflag:$0x1] =	stream.indirect_vreg.gather [hbm4b:s5+s3], $0x80, v3, vm0, $0xb8;
	[tilespmem:$0x10100] =	vst v63  }
0x58: {  	_ = 	snop  }
0x59: {  	[tilespmem:s29], [sflag:$0x1] =	stream.indirect_vreg.gather [hbm4b:s6+s3], $0x80, v3, vm0, $0xb8;
	[tilespmem:$0x10100] =	vst v63  }
0x5a: {  	s18 =	simm.s32 $0xB900  }
0x5b: {  	[tilespmem:s18], [sflag:$0x1] =	stream.indirect_vreg.gather [hbm4b:s7+s3], $0x80, v3, vm0, $0xb8;
	[tilespmem:$0x10100] =	vst v63  }
0x5c: {  	v3 =	vld [tilespmem:$0x30];
	_ =	sdelay $0x4  }
0x5d: {  	v63 =	vshll.u32 v3, $0x3  }
0x5e: {  	v3 =	vand.u32 $0x7, v3;
	v4 =	vand.u32 $0xFFFFFFC0, v63  }
0x5f: {  	v3 =	vor.u32 v3, v4  }
0x60: {  	v4 =	vperm.xlane v3, v0;
	_ =	sdelay $0x1  }
0x61: {  	v4 =	vadd.s32 v1, v4;
	_ =	sdelay $0x2  }
0x62: {  	s21 =	simm.s32 $0xC100;
	s22 =	simm.s32 $0xC900;
	s31 =	simm.s32 $0x3100  }
0x63: {  	s24 =	simm.s32 $0xD900;
	s25 =	simm.s32 $0xE100;
	s26 =	simm.s32 $0xE900  }
0x64: {  	[tilespmem:s21], [sflag:$0x1] =	stream.indirect_vreg.gather [hbm4b:s1+s3], $0x80, v4, vm0, $0xb8;
	[tilespmem:$0x10100] =	vst v63  }
0x65: {  	s28 =	simm.s32 $0x2100;
	s30 =	simm.s32 $0xF900;
	s2 =	simm.s32 $0x4100;
	v3 =	vperm.xlane v3, v2  }
0x66: {  	[tilespmem:s22], [sflag:$0x1] =	stream.indirect_vreg.gather [hbm4b:s5+s3], $0x80, v4, vm0, $0xb8;
	[tilespmem:$0x10100] =	vst v63  }
0x67: {  	s4 =	simm.s32 $0x4900;
	s8 =	simm.s32 $0x5100;
	s23 =	simm.s32 $0xD100;
	v3 =	vadd.s32 v1, v3  }
0x68: {  	[tilespmem:s23], [sflag:$0x1] =	stream.indirect_vreg.gather [hbm4b:s6+s3], $0x80, v4, vm0, $0xb8;
	[tilespmem:$0x10100] =	vst v63  }
0x69: {  	s9 =	simm.s32 $0x5900;
	s10 =	simm.s32 $0x6100;
	s11 =	simm.s32 $0x6900  }
0x6a: {  	[tilespmem:s24], [sflag:$0x1] =	stream.indirect_vreg.gather [hbm4b:s7+s3], $0x80, v4, vm0, $0xb8;
	[tilespmem:$0x10100] =	vst v63  }
0x6b: {  	s13 =	simm.s32 $0x7100;
	s14 =	simm.s32 $0x7900;
	s15 =	simm.s32 $0x8900  }
0x6c: {  	[tilespmem:s25], [sflag:$0x1] =	stream.indirect_vreg.gather [hbm4b:s1+s3], $0x80, v3, vm0, $0xb8;
	[tilespmem:$0x10100] =	vst v63  }
0x6d: {  	s16 =	simm.s32 $0x9100;
	s17 =	simm.s32 $0x9900;
	s12 =	simm.s32 $0xA900  }
0x6e: {  	[tilespmem:s26], [sflag:$0x1] =	stream.indirect_vreg.gather [hbm4b:s5+s3], $0x80, v3, vm0, $0xb8;
	[tilespmem:$0x10100] =	vst v63  }
0x6f: {  	s29 =	simm.s32 $0xB100;
	s18 =	simm.s32 $0xA100;
	s24 =	simm.s32 $0xF100  }
0x70: {  	[tilespmem:s24], [sflag:$0x1] =	stream.indirect_vreg.gather [hbm4b:s6+s3], $0x80, v3, vm0, $0xb8;
	[tilespmem:$0x10100] =	vst v63  }
0x71: {  	s21 =	simm.s32 $0x70;
	s22 =	simm.s32 $0x0;
	s25 =	simm.s32 $0x1100  }
0x72: {  	[tilespmem:s30], [sflag:$0x1] =	stream.indirect_vreg.gather [hbm4b:s7+s3], $0x80, v3, vm0, $0xb8;
	[tilespmem:$0x10100] =	vst v63  }
.LBB2_2:
0x73: {  	_ =	swait.ge [sflag:s19], $0x8000  }
0x74: {  	s23 =	rddreg [dreg:$0x4];
	[sflag:s19] =	ssyncset.done $0x0  }
0x75: {  	s26 =	simm.s32 $0x100;
	[sflag:s19] =	ssyncadd.s32 $0xFFFF8000;
	s23 =	sadd.s32 s22, s23  }
0x76: {  	[hbm4b:s23+s3] =	stream.linear.scatter [tilespmem:s26], [sflag:$0x2], $0x8000, $0x38;
	[tilespmem:$0x10100] =	vst v63  }
0x77: {  	_ =	swait.ge [sflag:s20], $0x8000  }
0x78: {  	[sflag:s20] =	ssyncset.done $0x0  }
0x79: {  	[sflag:s20] =	ssyncadd.s32 $0xFFFF8000  }
0x7a: {  	v3 =	vld [tilespmem:s21+$0xFFFFFFD0];
	_ =	sdelay $0x4  }
0x7b: {  	v4 =	vshll.u32 v3, $0x3  }
0x7c: {  	v3 =	vand.u32 $0x7, v3;
	v4 =	vand.u32 $0xFFFFFFC0, v4  }
0x7d: {  	v3 =	vor.u32 v3, v4  }
0x7e: {  	v4 =	vperm.xlane v3, v0;
	_ =	sdelay $0x1  }
0x7f: {  	v4 =	vadd.s32 v1, v4;
	_ =	sdelay $0x4  }
0x80: {  	[tilespmem:s26], [sflag:$0x1] =	stream.indirect_vreg.gather [hbm4b:s1+s3], $0x80, v4, vm0, $0xb8;
	[tilespmem:$0x10100] =	vst v63  }
0x81: {  	v3 =	vperm.xlane v3, v2;
	s26 =	simm.s32 $0x900  }
0x82: {  	[tilespmem:s26], [sflag:$0x1] =	stream.indirect_vreg.gather [hbm4b:s5+s3], $0x80, v4, vm0, $0xb8;
	[tilespmem:$0x10100] =	vst v63  }
0x83: {  	v3 =	vadd.s32 v1, v3  }
0x84: {  	[tilespmem:s25], [sflag:$0x1] =	stream.indirect_vreg.gather [hbm4b:s6+s3], $0x80, v4, vm0, $0xb8;
	[tilespmem:$0x10100] =	vst v63  }
0x85: {  	s26 =	simm.s32 $0x1900  }
0x86: {  	[tilespmem:s26], [sflag:$0x1] =	stream.indirect_vreg.gather [hbm4b:s7+s3], $0x80, v4, vm0, $0xb8;
	[tilespmem:$0x10100] =	vst v63  }
0x87: {  	_ = 	snop  }
0x88: {  	[tilespmem:s28], [sflag:$0x1] =	stream.indirect_vreg.gather [hbm4b:s1+s3], $0x80, v3, vm0, $0xb8;
	[tilespmem:$0x10100] =	vst v63  }
0x89: {  	s26 =	simm.s32 $0x2900  }
0x8a: {  	[tilespmem:s26], [sflag:$0x1] =	stream.indirect_vreg.gather [hbm4b:s5+s3], $0x80, v3, vm0, $0xb8;
	[tilespmem:$0x10100] =	vst v63  }
0x8b: {  	_ = 	snop  }
0x8c: {  	[tilespmem:s31], [sflag:$0x1] =	stream.indirect_vreg.gather [hbm4b:s6+s3], $0x80, v3, vm0, $0xb8;
	[tilespmem:$0x10100] =	vst v63  }
0x8d: {  	s26 =	simm.s32 $0x3900  }
0x8e: {  	[tilespmem:s26], [sflag:$0x1] =	stream.indirect_vreg.gather [hbm4b:s7+s3], $0x80, v3, vm0, $0xb8;
	[tilespmem:$0x10100] =	vst v63  }
0x8f: {  	v3 =	vld [tilespmem:s21+$0xFFFFFFE0];
	_ =	sdelay $0x4  }
0x90: {  	v61 =	vshll.u32 v3, $0x3  }
0x91: {  	v3 =	vand.u32 $0x7, v3;
	v4 =	vand.u32 $0xFFFFFFC0, v61  }
0x92: {  	v3 =	vor.u32 v3, v4  }
0x93: {  	v4 =	vperm.xlane v3, v0;
	_ =	sdelay $0x1  }
0x94: {  	v4 =	vadd.s32 v1, v4;
	_ =	sdelay $0x4  }
0x95: {  	[tilespmem:s2], [sflag:$0x1] =	stream.indirect_vreg.gather [hbm4b:s1+s3], $0x80, v4, vm0, $0xb8;
	[tilespmem:$0x10100] =	vst v63  }
0x96: {  	v3 =	vperm.xlane v3, v2  }
0x97: {  	[tilespmem:s4], [sflag:$0x1] =	stream.indirect_vreg.gather [hbm4b:s5+s3], $0x80, v4, vm0, $0xb8;
	[tilespmem:$0x10100] =	vst v63  }
0x98: {  	v3 =	vadd.s32 v1, v3  }
0x99: {  	[tilespmem:s8], [sflag:$0x1] =	stream.indirect_vreg.gather [hbm4b:s6+s3], $0x80, v4, vm0, $0xb8;
	[tilespmem:$0x10100] =	vst v63  }
0x9a: {  	_ = 	snop  }
0x9b: {  	[tilespmem:s9], [sflag:$0x1] =	stream.indirect_vreg.gather [hbm4b:s7+s3], $0x80, v4, vm0, $0xb8;
	[tilespmem:$0x10100] =	vst v63  }
0x9c: {  	_ = 	snop  }
0x9d: {  	[tilespmem:s10], [sflag:$0x1] =	stream.indirect_vreg.gather [hbm4b:s1+s3], $0x80, v3, vm0, $0xb8;
	[tilespmem:$0x10100] =	vst v63  }
0x9e: {  	_ = 	snop  }
0x9f: {  	[tilespmem:s11], [sflag:$0x1] =	stream.indirect_vreg.gather [hbm4b:s5+s3], $0x80, v3, vm0, $0xb8;
	[tilespmem:$0x10100] =	vst v63  }
0xa0: {  	_ = 	snop  }
0xa1: {  	[tilespmem:s13], [sflag:$0x1] =	stream.indirect_vreg.gather [hbm4b:s6+s3], $0x80, v3, vm0, $0xb8;
	[tilespmem:$0x10100] =	vst v63  }
0xa2: {  	_ = 	snop  }
0xa3: {  	[tilespmem:s14], [sflag:$0x1] =	stream.indirect_vreg.gather [hbm4b:s7+s3], $0x80, v3, vm0, $0xb8;
	[tilespmem:$0x10100] =	vst v63  }
0xa4: {  	_ =	swait.ge [sflag:s19], $0x8000  }
0xa5: {  	[sflag:s19] =	ssyncset.done $0x0  }
0xa6: {  	s23 =	sadd.s32 $0x1000, s23;
	s26 =	simm.s32 $0x8100;
	[sflag:s19] =	ssyncadd.s32 $0xFFFF8000  }
0xa7: {  	[hbm4b:s23+s3] =	stream.linear.scatter [tilespmem:s26], [sflag:$0x2], $0x8000, $0x38;
	[tilespmem:$0x10100] =	vst v63  }
0xa8: {  	_ =	swait.ge [sflag:s20], $0x8000  }
0xa9: {  	[sflag:s20] =	ssyncset.done $0x0  }
0xaa: {  	[sflag:s20] =	ssyncadd.s32 $0xFFFF8000  }
0xab: {  	v3 =	vld [tilespmem:s21+$0xFFFFFFF0];
	_ =	sdelay $0x4  }
0xac: {  	v62 =	vshll.u32 v3, $0x3  }
0xad: {  	v3 =	vand.u32 $0x7, v3;
	v4 =	vand.u32 $0xFFFFFFC0, v62  }
0xae: {  	v3 =	vor.u32 v3, v4  }
0xaf: {  	v4 =	vperm.xlane v3, v0;
	_ =	sdelay $0x1  }
0xb0: {  	v4 =	vadd.s32 v1, v4;
	_ =	sdelay $0x4  }
0xb1: {  	[tilespmem:s26], [sflag:$0x1] =	stream.indirect_vreg.gather [hbm4b:s1+s3], $0x80, v4, vm0, $0xb8;
	[tilespmem:$0x10100] =	vst v63  }
0xb2: {  	v3 =	vperm.xlane v3, v2  }
0xb3: {  	[tilespmem:s15], [sflag:$0x1] =	stream.indirect_vreg.gather [hbm4b:s5+s3], $0x80, v4, vm0, $0xb8;
	[tilespmem:$0x10100] =	vst v63  }
0xb4: {  	v3 =	vadd.s32 v1, v3  }
0xb5: {  	[tilespmem:s16], [sflag:$0x1] =	stream.indirect_vreg.gather [hbm4b:s6+s3], $0x80, v4, vm0, $0xb8;
	[tilespmem:$0x10100] =	vst v63  }
0xb6: {  	_ = 	snop  }
0xb7: {  	[tilespmem:s17], [sflag:$0x1] =	stream.indirect_vreg.gather [hbm4b:s7+s3], $0x80, v4, vm0, $0xb8;
	[tilespmem:$0x10100] =	vst v63  }
0xb8: {  	_ = 	snop  }
0xb9: {  	[tilespmem:s18], [sflag:$0x1] =	stream.indirect_vreg.gather [hbm4b:s1+s3], $0x80, v3, vm0, $0xb8;
	[tilespmem:$0x10100] =	vst v63  }
0xba: {  	_ = 	snop  }
0xbb: {  	[tilespmem:s12], [sflag:$0x1] =	stream.indirect_vreg.gather [hbm4b:s5+s3], $0x80, v3, vm0, $0xb8;
	[tilespmem:$0x10100] =	vst v63  }
0xbc: {  	_ = 	snop  }
0xbd: {  	[tilespmem:s29], [sflag:$0x1] =	stream.indirect_vreg.gather [hbm4b:s6+s3], $0x80, v3, vm0, $0xb8;
	[tilespmem:$0x10100] =	vst v63  }
0xbe: {  	s26 =	simm.s32 $0xB900  }
0xbf: {  	[tilespmem:s26], [sflag:$0x1] =	stream.indirect_vreg.gather [hbm4b:s7+s3], $0x80, v3, vm0, $0xb8;
	[tilespmem:$0x10100] =	vst v63  }
0xc0: {  	v3 =	vld [tilespmem:s21+$0x0];
	_ =	sdelay $0x4  }
0xc1: {  	v63 =	vshll.u32 v3, $0x3  }
0xc2: {  	v3 =	vand.u32 $0x7, v3;
	v4 =	vand.u32 $0xFFFFFFC0, v63  }
0xc3: {  	v3 =	vor.u32 v3, v4  }
0xc4: {  	v4 =	vperm.xlane v3, v0;
	_ =	sdelay $0x1  }
0xc5: {  	v4 =	vadd.s32 v1, v4;
	_ =	sdelay $0x3  }
0xc6: {  	s26 =	simm.s32 $0xC100  }
0xc7: {  	[tilespmem:s26], [sflag:$0x1] =	stream.indirect_vreg.gather [hbm4b:s1+s3], $0x80, v4, vm0, $0xb8;
	[tilespmem:$0x10100] =	vst v63  }
0xc8: {  	v3 =	vperm.xlane v3, v2;
	s26 =	simm.s32 $0xC900  }
0xc9: {  	[tilespmem:s26], [sflag:$0x1] =	stream.indirect_vreg.gather [hbm4b:s5+s3], $0x80, v4, vm0, $0xb8;
	[tilespmem:$0x10100] =	vst v63  }
0xca: {  	v3 =	vadd.s32 v1, v3;
	s26 =	simm.s32 $0xD100  }
0xcb: {  	[tilespmem:s26], [sflag:$0x1] =	stream.indirect_vreg.gather [hbm4b:s6+s3], $0x80, v4, vm0, $0xb8;
	[tilespmem:$0x10100] =	vst v63  }
0xcc: {  	s26 =	simm.s32 $0xD900  }
0xcd: {  	[tilespmem:s26], [sflag:$0x1] =	stream.indirect_vreg.gather [hbm4b:s7+s3], $0x80, v4, vm0, $0xb8;
	[tilespmem:$0x10100] =	vst v63  }
0xce: {  	s26 =	simm.s32 $0xE100  }
0xcf: {  	[tilespmem:s26], [sflag:$0x1] =	stream.indirect_vreg.gather [hbm4b:s1+s3], $0x80, v3, vm0, $0xb8;
	[tilespmem:$0x10100] =	vst v63  }
0xd0: {  	p0 =	sne.s32 s22, $0x4000;
	s26 =	simm.s32 $0xE900  }
0xd1: {  	[tilespmem:s26], [sflag:$0x1] =	stream.indirect_vreg.gather [hbm4b:s5+s3], $0x80, v3, vm0, $0xb8;
	[tilespmem:$0x10100] =	vst v63  }
.Ltmp0:
0xd2: {  	_ = 	snop;
	(pc) =	sbr.rel @p0 .LBB2_2-.Ltmp0, $4  }
0xd3: {  	s0 =	simm.s32 $0x100  }
0xd4: {  	[tilespmem:s24], [sflag:$0x1] =	stream.indirect_vreg.gather [hbm4b:s6+s3], $0x80, v3, vm0, $0xb8;
	[tilespmem:$0x10100] =	vst v63  }
0xd5: {  	s22 =	sadd.s32 $0x2000, s22;
	s23 =	simm.s32 $0x8100;
	s21 =	sadd.s32 $0x40, s21  }
0xd6: {  	[tilespmem:s30], [sflag:$0x1] =	stream.indirect_vreg.gather [hbm4b:s7+s3], $0x80, v3, vm0, $0xb8;
	[tilespmem:$0x10100] =	vst v63  }
0xd7: {  	_ =	swait.ge [sflag:s19], $0x8000  }
0xd8: {  	[sflag:s19] =	ssyncset.done $0x0  }
0xd9: {  	s21 =	rddreg [dreg:$0x6];
	[sflag:s19] =	ssyncadd.s32 $0xFFFF8000  }
0xda: {  	[hbm4b:s21+s3] =	stream.linear.scatter [tilespmem:s0], [sflag:$0x2], $0x8000, $0x38;
	[tilespmem:$0x10100] =	vst v63  }
0xdb: {  	_ =	swait.ge [sflag:s19], $0x8000  }
0xdc: {  	[sflag:s19] =	ssyncset.done $0x0  }
0xdd: {  	s25 =	rddreg [dreg:$0x7];
	[sflag:s19] =	ssyncadd.s32 $0xFFFF8000  }
0xde: {  	[hbm4b:s25+s3] =	stream.linear.scatter [tilespmem:s23], [sflag:$0x2], $0x8000, $0x38;
	[tilespmem:$0x10100] =	vst v63  }
0xdf: {  	_ =	swait.ge [sflag:s20], $0x8000  }
0xe0: {  	s22 =	simm.s32 $0x900;
	[sflag:s20] =	ssyncset.done $0x0  }
0xe1: {  	s31 =	simm.s32 $0x1100;
	s24 =	simm.s32 $0x1900;
	[sflag:s20] =	ssyncadd.s32 $0xFFFF8000  }
0xe2: {  	s28 =	simm.s32 $0x3100;
	s30 =	simm.s32 $0x3900;
	_ =	swait.ge [sflag:s20], $0x8000  }
0xe3: {  	s4 =	simm.s32 $0x4900;
	s8 =	simm.s32 $0x5100;
	s2 =	rddreg [dreg:$0x9]  }
0xe4: {  	s9 =	simm.s32 $0x5900;
	s26 =	rddreg [dreg:$0x8];
	s2 =	sadd.s32 $0x1, s2  }
0xe5: {  	s10 =	simm.s32 $0x6100;
	s11 =	simm.s32 $0x6900;
	p0 =	sne.s32 s2, s26  }
.Ltmp1:
0xe6: {  	s13 =	simm.s32 $0x7100;
	s14 =	simm.s32 $0x7900;
	(pc) =	sbr.rel @p0 .LBB2_1-.Ltmp1, $4  }
0xe7: {  	s15 =	simm.s32 $0x8900;
	s16 =	simm.s32 $0x9100;
	s17 =	simm.s32 $0x9900  }
0xe8: {  	s18 =	simm.s32 $0xA100;
	s12 =	simm.s32 $0xA900;
	[sflag:s20] =	ssyncset.done $0x0  }
0xe9: {  	s29 =	simm.s32 $0xB100;
	s25 =	simm.s32 $0x2100;
	[sflag:s20] =	ssyncadd.s32 $0xFFFF8000  }
0xea: {  	[dreg:$0x9] =	wrdreg s2;
	s26 =	simm.s32 $0x2900;
	s2 =	simm.s32 $0x4100  }
0xeb: {  	_ =	sfence.sel $0x180000  }
0xec: {  	[bflag:$0x0] =	sbarrier.arrive $0xFFFF  }
0xed: {  	_ =	strace $0x90000047  }
0xee: {  	s0 =	stileid.u32;
	[bflag:$0x2] =	sbarrier.arrive $0xFFFF  }
0xef: {  	p0 =	sne.s32 s0, $0x0;
	s0 =	rddreg [dreg:$0x3]  }
0xf0: {  	s0 =	sadd.s32 @!p0 $0x100000, s0  }
0xf1: {  	[sflag:s0] =	ssyncadd.tile.s32 @!p0 $0x1;
	_ =	shalt  }
.Lfunc_end2:
_tile_overlayer_lowered:
.L_overlay_start_2:
0xf2: {  	(tag) =	ssettag $0x2  }
0xf3: {  	s0 =	rddreg [dreg:$0x0];
	s2 =	stileid.u32  }
0xf4: {  	s1 =	rddreg [dreg:$0x1];
	p0 =	sne.s32 s2, $0x0  }
0xf5: {  	s3 =	rddreg [dreg:$0x2];
	[bflag:$0x3] =	sbarrier.arrive $0xFFFF;
	s2 =	simm.s32 @!p0 $0x1C03  }
0xf6: {  	[timem:s3], [sflag:s2] =	dma.local @!p0 [hbm:s0], s1  }
0xf7: {  	s0 =	simm.s32 @!p0 $0x3  }
0xf8: {  	_ =	swait.ge @!p0 [sflag:s0], s1  }
0xf9: {  	s1 =	ssub.s32 @!p0 $0x0, s1;
	[sflag:s0] =	ssyncset.done @!p0 $0x0  }
0xfa: {  	[sflag:s0] =	ssyncadd.s32 @!p0 s1  }
0xfb: {  	[bflag:$0x3] =	sbarrier.arrive $0xFFFF  }
0xfc: {  	_ =	shalt  }

</sc_bundles>
